<compile_context>
chip_gen: v7x
topology: tpu7x:2x2x1
jax: 0.10.2.dev20260603
libtpu: 0.0.44.dev20260713+nightly
codegen_flags: <defaults>
</compile_context>

<pallas_src>
import jax
import jax.numpy as jnp
from jax import lax
from jax.experimental import pallas as pl
from jax.experimental.pallas import tpu as pltpu
from jax.experimental.pallas import tpu_sc as plsc

_B, _S, _D = 16, 4096, 1024
_L = 16
_H = _S // 2
_HD = _D // 2
_UNROLL = 8


def _half_sum(mrow, base, a):
    def step(i, acc):
        off = base + i * (_L * _UNROLL)
        for j in range(_UNROLL):
            acc = acc + mrow[pl.ds(off + j * _L, _L)]
        return acc

    return lax.fori_loop(0, _H // (_L * _UNROLL), step, a)


def _body(x_hbm, m_hbm, out_hbm, mrow, row, s0, s1, s2, s3):
    wid = lax.axis_index("s")
    cm0 = pltpu.async_copy(m_hbm.at[wid, pl.ds(0, _H)], mrow.at[pl.ds(0, _H)], s0)
    cm1 = pltpu.async_copy(m_hbm.at[wid, pl.ds(_H, _H)], mrow.at[pl.ds(_H, _H)], s1)
    cm0.wait()
    acc = _half_sum(mrow, 0, jnp.zeros((_L,), jnp.int32))
    cm1.wait()
    acc = _half_sum(mrow, _H, acc)
    total = jnp.sum(acc)
    idx = jnp.where(total > 0, total - 1, _S - 1)
    r0 = pltpu.async_copy(
        x_hbm.at[wid, idx, pl.ds(0, _HD)], row.at[pl.ds(0, _HD)], s0
    )
    r1 = pltpu.async_copy(
        x_hbm.at[wid, idx, pl.ds(_HD, _HD)], row.at[pl.ds(_HD, _HD)], s1
    )
    r0.wait()
    w0 = pltpu.async_copy(
        row.at[pl.ds(0, _HD)], out_hbm.at[wid, pl.ds(0, _HD)], s2
    )
    r1.wait()
    w1 = pltpu.async_copy(
        row.at[pl.ds(_HD, _HD)], out_hbm.at[wid, pl.ds(_HD, _HD)], s3
    )
    w0.wait()
    w1.wait()


def kernel(x, mask):
    mesh = plsc.VectorSubcoreMesh(
        core_axis_name="c", subcore_axis_name="s", num_cores=1
    )
    run = pl.kernel(
        _body,
        mesh=mesh,
        out_type=jax.ShapeDtypeStruct((_B, _D), jnp.float32),
        scratch_types=[
            pltpu.VMEM((_S,), jnp.int32),
            pltpu.VMEM((_D,), jnp.float32),
            pltpu.SemaphoreType.DMA,
            pltpu.SemaphoreType.DMA,
            pltpu.SemaphoreType.DMA,
            pltpu.SemaphoreType.DMA,
        ],
        compiler_params=pltpu.CompilerParams(
            needs_layout_passes=False,
            disable_bounds_checks=True,
            disable_semaphore_checks=True,
            skip_device_barrier=True,
        ),
    )
    return run(x, mask)

# --- scband reference (transcript-rebuilt; emitter-appended) ---
"""Pipeline reference for scband-last-timestamp-13125420056688 (READ-ONLY COPY).

The authoritative reference and input builder live on the scoring server;
editing this copy changes nothing except your own understanding.
"""

import jax, jax.numpy as jnp
import numpy as np


def setup_inputs(seed: int = 0) -> dict:
    key = jax.random.key(seed)
    k1, k2 = jax.random.split(key)
    x = jax.random.normal(k1, (16, 4096, 1024), dtype=jnp.float32)
    mask = jax.random.randint(k2, (16, 4096), 0, 2).astype(jnp.bool_)
    return {"x": x, "mask": mask}


def reference(x, mask):
    # last valid timestamp index per row: (mask.sum(dim=1) - 1)
    last_timestamp_index = (jnp.sum(mask.astype(jnp.int32), axis=1) - 1).astype(jnp.int64)
    batch_indices = jnp.arange(x.shape[0])
    out = x[batch_indices, last_timestamp_index]
    return out

if __name__ == "__main__":
    import jax
    _d = setup_inputs()
    print(jax.jit(kernel)(*tuple(_d.values())))

</pallas_src>

<mosaic_0001>
#map = affine_map<(d0, d1) -> (0, 0, 0)>
#map1 = affine_map<(d0, d1) -> (0, 0)>
module attributes {stable_mosaic.version = 14 : i64} {
  func.func @_body(%arg0: i32, %arg1: i32, %arg2: memref<16x4096x1024xf32, #tpu.memory_space<hbm>>, %arg3: memref<16x4096xi32, #tpu.memory_space<hbm>>, %arg4: memref<16x1024xf32, #tpu.memory_space<hbm>>, %arg5: memref<4096xi32, #tpu.memory_space<vmem>>, %arg6: memref<1024xf32, #tpu.memory_space<vmem>>, %arg7: memref<!tpu.dma_semaphore, #tpu.memory_space<semaphore_mem>>, %arg8: memref<!tpu.dma_semaphore, #tpu.memory_space<semaphore_mem>>, %arg9: memref<!tpu.dma_semaphore, #tpu.memory_space<semaphore_mem>>, %arg10: memref<!tpu.dma_semaphore, #tpu.memory_space<semaphore_mem>>) attributes {dimension_semantics = [#tpu.dimension_semantics<core_parallel>, #tpu.dimension_semantics<subcore_parallel>], iteration_bounds = array<i64: 1, 16>, scalar_prefetch = 0 : i64, scratch_operands = 6 : i64, tpu.core_type = #tpu.core_type<sc_vector_subcore>, window_params = [{transform_indices = #map}, {transform_indices = #map1}, {transform_indices = #map1}]} {
    %dma_start3A = arith.constant 0 : i32
    %dma_start3A_0 = tpu.memref_slice %arg5[%dma_start3A] : memref<4096xi32, #tpu.memory_space<vmem>> -> memref<2048xi32, #tpu.memory_space<vmem>>
    %dma_start3A_1 = arith.constant 0 : i32
    %dma_start3A_2 = tpu.memref_slice %arg3[%arg1, %dma_start3A_1] : memref<16x4096xi32, #tpu.memory_space<hbm>> -> memref<1x2048xi32, #tpu.memory_space<hbm>>
    %dma_start3A_3 = tpu.memref_squeeze %dma_start3A_2 : memref<1x2048xi32, #tpu.memory_space<hbm>> -> memref<2048xi32, #tpu.memory_space<hbm>>
    %dma_start3A_4 = arith.constant 0 : i32
    %dma_start3A_5 = tpu.memref_slice %arg5[%dma_start3A_4] : memref<4096xi32, #tpu.memory_space<vmem>> -> memref<2048xi32, #tpu.memory_space<vmem>>
    %dma_start3A_6 = arith.constant 0 : i32
    %dma_start3A_7 = tpu.memref_slice %arg3[%arg1, %dma_start3A_6] : memref<16x4096xi32, #tpu.memory_space<hbm>> -> memref<1x2048xi32, #tpu.memory_space<hbm>>
    %dma_start3A_8 = tpu.memref_squeeze %dma_start3A_7 : memref<1x2048xi32, #tpu.memory_space<hbm>> -> memref<2048xi32, #tpu.memory_space<hbm>>
    tpu.enqueue_dma source(%dma_start3A_8 : memref<2048xi32, #tpu.memory_space<hbm>>) target(%dma_start3A_5 : memref<2048xi32, #tpu.memory_space<vmem>>) target_semaphore(%arg7 : memref<!tpu.dma_semaphore, #tpu.memory_space<semaphore_mem>>)
    %dma_start3A_9 = arith.constant 2048 : i32
    %dma_start3A_10 = tpu.memref_slice %arg5[%dma_start3A_9] : memref<4096xi32, #tpu.memory_space<vmem>> -> memref<2048xi32, #tpu.memory_space<vmem>>
    %dma_start3A_11 = arith.constant 2048 : i32
    %dma_start3A_12 = tpu.memref_slice %arg3[%arg1, %dma_start3A_11] : memref<16x4096xi32, #tpu.memory_space<hbm>> -> memref<1x2048xi32, #tpu.memory_space<hbm>>
    %dma_start3A_13 = tpu.memref_squeeze %dma_start3A_12 : memref<1x2048xi32, #tpu.memory_space<hbm>> -> memref<2048xi32, #tpu.memory_space<hbm>>
    %dma_start3A_14 = arith.constant 2048 : i32
    %dma_start3A_15 = tpu.memref_slice %arg5[%dma_start3A_14] : memref<4096xi32, #tpu.memory_space<vmem>> -> memref<2048xi32, #tpu.memory_space<vmem>>
    %dma_start3A_16 = arith.constant 2048 : i32
    %dma_start3A_17 = tpu.memref_slice %arg3[%arg1, %dma_start3A_16] : memref<16x4096xi32, #tpu.memory_space<hbm>> -> memref<1x2048xi32, #tpu.memory_space<hbm>>
    %dma_start3A_18 = tpu.memref_squeeze %dma_start3A_17 : memref<1x2048xi32, #tpu.memory_space<hbm>> -> memref<2048xi32, #tpu.memory_space<hbm>>
    tpu.enqueue_dma source(%dma_start3A_18 : memref<2048xi32, #tpu.memory_space<hbm>>) target(%dma_start3A_15 : memref<2048xi32, #tpu.memory_space<vmem>>) target_semaphore(%arg8 : memref<!tpu.dma_semaphore, #tpu.memory_space<semaphore_mem>>)
    %dma_wait3A = arith.constant 0 : i32
    %dma_wait3A_19 = tpu.memref_slice %arg5[%dma_wait3A] : memref<4096xi32, #tpu.memory_space<vmem>> -> memref<2048xi32, #tpu.memory_space<vmem>>
    %dma_wait3A_20 = arith.constant 0 : i32
    %dma_wait3A_21 = tpu.memref_slice %arg3[%arg1, %dma_wait3A_20] : memref<16x4096xi32, #tpu.memory_space<hbm>> -> memref<1x2048xi32, #tpu.memory_space<hbm>>
    %dma_wait3A_22 = tpu.memref_squeeze %dma_wait3A_21 : memref<1x2048xi32, #tpu.memory_space<hbm>> -> memref<2048xi32, #tpu.memory_space<hbm>>
    %dma_wait3A_23 = arith.constant 0 : i32
    %dma_wait3A_24 = tpu.memref_slice %arg5[%dma_wait3A_23] : memref<4096xi32, #tpu.memory_space<vmem>> -> memref<2048xi32, #tpu.memory_space<vmem>>
    %dma_wait3A_25 = arith.constant 0 : i32
    %dma_wait3A_26 = tpu.memref_slice %arg3[%arg1, %dma_wait3A_25] : memref<16x4096xi32, #tpu.memory_space<hbm>> -> memref<1x2048xi32, #tpu.memory_space<hbm>>
    %dma_wait3A_27 = tpu.memref_squeeze %dma_wait3A_26 : memref<1x2048xi32, #tpu.memory_space<hbm>> -> memref<2048xi32, #tpu.memory_space<hbm>>
    tpu.wait_dma2 semaphore(%arg7 : memref<!tpu.dma_semaphore, #tpu.memory_space<semaphore_mem>>) src(%dma_wait3A_27 : memref<2048xi32, #tpu.memory_space<hbm>>) dst(%dma_wait3A_24 : memref<2048xi32, #tpu.memory_space<vmem>>)
    %broadcast_in_dim3A = arith.constant 0 : i32
    %broadcast_in_dim3A_28 = vector.broadcast %broadcast_in_dim3A : i32 to vector<16xi32>
    %scan3A = arith.constant 0 : i32
    %scan3A_29 = arith.constant 16 : i32
    %scan3A_30 = arith.addi %scan3A, %scan3A_29 : i32
    %scan3A_31 = arith.constant 1 : i32
    %scan3A_32 = scf.for %scan3A_135 = %scan3A to %scan3A_30 step %scan3A_31 iter_args(%scan3A_136 = %broadcast_in_dim3A_28) -> (vector<16xi32>)  : i32 {
      %mul3A = arith.constant 128 : i32
      %mul3A_137 = arith.muli %scan3A_135, %mul3A : i32
      %add3A = arith.constant 0 : i32
      %add3A_138 = arith.addi %add3A, %mul3A_137 : i32
      %add3A_139 = arith.constant 0 : i32
      %add3A_140 = arith.addi %add3A_138, %add3A_139 : i32
      %get3A = arith.index_cast %add3A_140 : i32 to index
      %get3A_141 = tpu.vector_load %arg5[%get3A] {strides = array<i32>} : memref<4096xi32, #tpu.memory_space<vmem>>, vector<16xi32>,
      %add3A_142 = arith.addi %scan3A_136, %get3A_141 : vector<16xi32>
      %add3A_143 = arith.constant 16 : i32
      %add3A_144 = arith.addi %add3A_138, %add3A_143 : i32
      %get3A_145 = arith.index_cast %add3A_144 : i32 to index
      %get3A_146 = tpu.vector_load %arg5[%get3A_145] {strides = array<i32>} : memref<4096xi32, #tpu.memory_space<vmem>>, vector<16xi32>,
      %add3A_147 = arith.addi %add3A_142, %get3A_146 : vector<16xi32>
      %add3A_148 = arith.constant 32 : i32
      %add3A_149 = arith.addi %add3A_138, %add3A_148 : i32
      %get3A_150 = arith.index_cast %add3A_149 : i32 to index
      %get3A_151 = tpu.vector_load %arg5[%get3A_150] {strides = array<i32>} : memref<4096xi32, #tpu.memory_space<vmem>>, vector<16xi32>,
      %add3A_152 = arith.addi %add3A_147, %get3A_151 : vector<16xi32>
      %add3A_153 = arith.constant 48 : i32
      %add3A_154 = arith.addi %add3A_138, %add3A_153 : i32
      %get3A_155 = arith.index_cast %add3A_154 : i32 to index
      %get3A_156 = tpu.vector_load %arg5[%get3A_155] {strides = array<i32>} : memref<4096xi32, #tpu.memory_space<vmem>>, vector<16xi32>,
      %add3A_157 = arith.addi %add3A_152, %get3A_156 : vector<16xi32>
      %add3A_158 = arith.constant 64 : i32
      %add3A_159 = arith.addi %add3A_138, %add3A_158 : i32
      %get3A_160 = arith.index_cast %add3A_159 : i32 to index
      %get3A_161 = tpu.vector_load %arg5[%get3A_160] {strides = array<i32>} : memref<4096xi32, #tpu.memory_space<vmem>>, vector<16xi32>,
      %add3A_162 = arith.addi %add3A_157, %get3A_161 : vector<16xi32>
      %add3A_163 = arith.constant 80 : i32
      %add3A_164 = arith.addi %add3A_138, %add3A_163 : i32
      %get3A_165 = arith.index_cast %add3A_164 : i32 to index
      %get3A_166 = tpu.vector_load %arg5[%get3A_165] {strides = array<i32>} : memref<4096xi32, #tpu.memory_space<vmem>>, vector<16xi32>,
      %add3A_167 = arith.addi %add3A_162, %get3A_166 : vector<16xi32>
      %add3A_168 = arith.constant 96 : i32
      %add3A_169 = arith.addi %add3A_138, %add3A_168 : i32
      %get3A_170 = arith.index_cast %add3A_169 : i32 to index
      %get3A_171 = tpu.vector_load %arg5[%get3A_170] {strides = array<i32>} : memref<4096xi32, #tpu.memory_space<vmem>>, vector<16xi32>,
      %add3A_172 = arith.addi %add3A_167, %get3A_171 : vector<16xi32>
      %add3A_173 = arith.constant 112 : i32
      %add3A_174 = arith.addi %add3A_138, %add3A_173 : i32
      %get3A_175 = arith.index_cast %add3A_174 : i32 to index
      %get3A_176 = tpu.vector_load %arg5[%get3A_175] {strides = array<i32>} : memref<4096xi32, #tpu.memory_space<vmem>>, vector<16xi32>,
      %add3A_177 = arith.addi %add3A_172, %get3A_176 : vector<16xi32>
      scf.yield %add3A_177 : vector<16xi32>
    }
    %scan3A_33 = arith.constant 16 : i32
    %dma_wait3A_34 = arith.constant 2048 : i32
    %dma_wait3A_35 = tpu.memref_slice %arg5[%dma_wait3A_34] : memref<4096xi32, #tpu.memory_space<vmem>> -> memref<2048xi32, #tpu.memory_space<vmem>>
    %dma_wait3A_36 = arith.constant 2048 : i32
    %dma_wait3A_37 = tpu.memref_slice %arg3[%arg1, %dma_wait3A_36] : memref<16x4096xi32, #tpu.memory_space<hbm>> -> memref<1x2048xi32, #tpu.memory_space<hbm>>
    %dma_wait3A_38 = tpu.memref_squeeze %dma_wait3A_37 : memref<1x2048xi32, #tpu.memory_space<hbm>> -> memref<2048xi32, #tpu.memory_space<hbm>>
    %dma_wait3A_39 = arith.constant 2048 : i32
    %dma_wait3A_40 = tpu.memref_slice %arg5[%dma_wait3A_39] : memref<4096xi32, #tpu.memory_space<vmem>> -> memref<2048xi32, #tpu.memory_space<vmem>>
    %dma_wait3A_41 = arith.constant 2048 : i32
    %dma_wait3A_42 = tpu.memref_slice %arg3[%arg1, %dma_wait3A_41] : memref<16x4096xi32, #tpu.memory_space<hbm>> -> memref<1x2048xi32, #tpu.memory_space<hbm>>
    %dma_wait3A_43 = tpu.memref_squeeze %dma_wait3A_42 : memref<1x2048xi32, #tpu.memory_space<hbm>> -> memref<2048xi32, #tpu.memory_space<hbm>>
    tpu.wait_dma2 semaphore(%arg8 : memref<!tpu.dma_semaphore, #tpu.memory_space<semaphore_mem>>) src(%dma_wait3A_43 : memref<2048xi32, #tpu.memory_space<hbm>>) dst(%dma_wait3A_40 : memref<2048xi32, #tpu.memory_space<vmem>>)
    %scan3A_44 = arith.constant 0 : i32
    %scan3A_45 = arith.constant 16 : i32
    %scan3A_46 = arith.addi %scan3A_44, %scan3A_45 : i32
    %scan3A_47 = arith.constant 1 : i32
    %scan3A_48 = scf.for %scan3A_135 = %scan3A_44 to %scan3A_46 step %scan3A_47 iter_args(%scan3A_136 = %scan3A_32) -> (vector<16xi32>)  : i32 {
      %mul3A = arith.constant 128 : i32
      %mul3A_137 = arith.muli %scan3A_135, %mul3A : i32
      %add3A = arith.constant 2048 : i32
      %add3A_138 = arith.addi %add3A, %mul3A_137 : i32
      %add3A_139 = arith.constant 0 : i32
      %add3A_140 = arith.addi %add3A_138, %add3A_139 : i32
      %get3A = arith.index_cast %add3A_140 : i32 to index
      %get3A_141 = tpu.vector_load %arg5[%get3A] {strides = array<i32>} : memref<4096xi32, #tpu.memory_space<vmem>>, vector<16xi32>,
      %add3A_142 = arith.addi %scan3A_136, %get3A_141 : vector<16xi32>
      %add3A_143 = arith.constant 16 : i32
      %add3A_144 = arith.addi %add3A_138, %add3A_143 : i32
      %get3A_145 = arith.index_cast %add3A_144 : i32 to index
      %get3A_146 = tpu.vector_load %arg5[%get3A_145] {strides = array<i32>} : memref<4096xi32, #tpu.memory_space<vmem>>, vector<16xi32>,
      %add3A_147 = arith.addi %add3A_142, %get3A_146 : vector<16xi32>
      %add3A_148 = arith.constant 32 : i32
      %add3A_149 = arith.addi %add3A_138, %add3A_148 : i32
      %get3A_150 = arith.index_cast %add3A_149 : i32 to index
      %get3A_151 = tpu.vector_load %arg5[%get3A_150] {strides = array<i32>} : memref<4096xi32, #tpu.memory_space<vmem>>, vector<16xi32>,
      %add3A_152 = arith.addi %add3A_147, %get3A_151 : vector<16xi32>
      %add3A_153 = arith.constant 48 : i32
      %add3A_154 = arith.addi %add3A_138, %add3A_153 : i32
      %get3A_155 = arith.index_cast %add3A_154 : i32 to index
      %get3A_156 = tpu.vector_load %arg5[%get3A_155] {strides = array<i32>} : memref<4096xi32, #tpu.memory_space<vmem>>, vector<16xi32>,
      %add3A_157 = arith.addi %add3A_152, %get3A_156 : vector<16xi32>
      %add3A_158 = arith.constant 64 : i32
      %add3A_159 = arith.addi %add3A_138, %add3A_158 : i32
      %get3A_160 = arith.index_cast %add3A_159 : i32 to index
      %get3A_161 = tpu.vector_load %arg5[%get3A_160] {strides = array<i32>} : memref<4096xi32, #tpu.memory_space<vmem>>, vector<16xi32>,
      %add3A_162 = arith.addi %add3A_157, %get3A_161 : vector<16xi32>
      %add3A_163 = arith.constant 80 : i32
      %add3A_164 = arith.addi %add3A_138, %add3A_163 : i32
      %get3A_165 = arith.index_cast %add3A_164 : i32 to index
      %get3A_166 = tpu.vector_load %arg5[%get3A_165] {strides = array<i32>} : memref<4096xi32, #tpu.memory_space<vmem>>, vector<16xi32>,
      %add3A_167 = arith.addi %add3A_162, %get3A_166 : vector<16xi32>
      %add3A_168 = arith.constant 96 : i32
      %add3A_169 = arith.addi %add3A_138, %add3A_168 : i32
      %get3A_170 = arith.index_cast %add3A_169 : i32 to index
      %get3A_171 = tpu.vector_load %arg5[%get3A_170] {strides = array<i32>} : memref<4096xi32, #tpu.memory_space<vmem>>, vector<16xi32>,
      %add3A_172 = arith.addi %add3A_167, %get3A_171 : vector<16xi32>
      %add3A_173 = arith.constant 112 : i32
      %add3A_174 = arith.addi %add3A_138, %add3A_173 : i32
      %get3A_175 = arith.index_cast %add3A_174 : i32 to index
      %get3A_176 = tpu.vector_load %arg5[%get3A_175] {strides = array<i32>} : memref<4096xi32, #tpu.memory_space<vmem>>, vector<16xi32>,
      %add3A_177 = arith.addi %add3A_172, %get3A_176 : vector<16xi32>
      scf.yield %add3A_177 : vector<16xi32>
    }
    %scan3A_49 = arith.constant 16 : i32
    %reduce_sum3A = arith.constant true
    %reduce_sum3A_50 = vector.broadcast %reduce_sum3A : i1 to vector<16xi1>
    %reduce_sum3A_51 = tpu.scan <sum>, %scan3A_48 masked %reduce_sum3A_50 : vector<16xi32>, vector<16xi1> -> vector<16xi32>
    %reduce_sum3A_52 = vector.extract %reduce_sum3A_51[15] : i32 from vector<16xi32>
    %gt3A = arith.constant 0 : i32
    %gt3A_53 = arith.cmpi sgt, %reduce_sum3A_52, %gt3A : i32
    %sub3A = arith.constant 1 : i32
    %sub3A_54 = arith.subi %reduce_sum3A_52, %sub3A : i32
    %jit3A = arith.constant 4095 : i32
    %select_n3A = arith.select %gt3A_53, %sub3A_54, %jit3A : i32
    %dma_start3A_55 = arith.constant 0 : i32
    %dma_start3A_56 = tpu.memref_slice %arg6[%dma_start3A_55] : memref<1024xf32, #tpu.memory_space<vmem>> -> memref<512xf32, #tpu.memory_space<vmem>>
    %dma_start3A_57 = arith.constant 0 : i32
    %dma_start3A_58 = tpu.memref_slice %arg2[%arg1, %select_n3A, %dma_start3A_57] : memref<16x4096x1024xf32, #tpu.memory_space<hbm>> -> memref<1x1x512xf32, #tpu.memory_space<hbm>>
    %dma_start3A_59 = tpu.memref_squeeze %dma_start3A_58 : memref<1x1x512xf32, #tpu.memory_space<hbm>> -> memref<512xf32, #tpu.memory_space<hbm>>
    %dma_start3A_60 = arith.constant 0 : i32
    %dma_start3A_61 = tpu.memref_slice %arg6[%dma_start3A_60] : memref<1024xf32, #tpu.memory_space<vmem>> -> memref<512xf32, #tpu.memory_space<vmem>>
    %dma_start3A_62 = arith.constant 0 : i32
    %dma_start3A_63 = tpu.memref_slice %arg2[%arg1, %select_n3A, %dma_start3A_62] : memref<16x4096x1024xf32, #tpu.memory_space<hbm>> -> memref<1x1x512xf32, #tpu.memory_space<hbm>>
    %dma_start3A_64 = tpu.memref_squeeze %dma_start3A_63 : memref<1x1x512xf32, #tpu.memory_space<hbm>> -> memref<512xf32, #tpu.memory_space<hbm>>
    tpu.enqueue_dma source(%dma_start3A_64 : memref<512xf32, #tpu.memory_space<hbm>>) target(%dma_start3A_61 : memref<512xf32, #tpu.memory_space<vmem>>) target_semaphore(%arg7 : memref<!tpu.dma_semaphore, #tpu.memory_space<semaphore_mem>>)
    %dma_start3A_65 = arith.constant 512 : i32
    %dma_start3A_66 = tpu.memref_slice %arg6[%dma_start3A_65] : memref<1024xf32, #tpu.memory_space<vmem>> -> memref<512xf32, #tpu.memory_space<vmem>>
    %dma_start3A_67 = arith.constant 512 : i32
    %dma_start3A_68 = tpu.memref_slice %arg2[%arg1, %select_n3A, %dma_start3A_67] : memref<16x4096x1024xf32, #tpu.memory_space<hbm>> -> memref<1x1x512xf32, #tpu.memory_space<hbm>>
    %dma_start3A_69 = tpu.memref_squeeze %dma_start3A_68 : memref<1x1x512xf32, #tpu.memory_space<hbm>> -> memref<512xf32, #tpu.memory_space<hbm>>
    %dma_start3A_70 = arith.constant 512 : i32
    %dma_start3A_71 = tpu.memref_slice %arg6[%dma_start3A_70] : memref<1024xf32, #tpu.memory_space<vmem>> -> memref<512xf32, #tpu.memory_space<vmem>>
    %dma_start3A_72 = arith.constant 512 : i32
    %dma_start3A_73 = tpu.memref_slice %arg2[%arg1, %select_n3A, %dma_start3A_72] : memref<16x4096x1024xf32, #tpu.memory_space<hbm>> -> memref<1x1x512xf32, #tpu.memory_space<hbm>>
    %dma_start3A_74 = tpu.memref_squeeze %dma_start3A_73 : memref<1x1x512xf32, #tpu.memory_space<hbm>> -> memref<512xf32, #tpu.memory_space<hbm>>
    tpu.enqueue_dma source(%dma_start3A_74 : memref<512xf32, #tpu.memory_space<hbm>>) target(%dma_start3A_71 : memref<512xf32, #tpu.memory_space<vmem>>) target_semaphore(%arg8 : memref<!tpu.dma_semaphore, #tpu.memory_space<semaphore_mem>>)
    %dma_wait3A_75 = arith.constant 0 : i32
    %dma_wait3A_76 = tpu.memref_slice %arg6[%dma_wait3A_75] : memref<1024xf32, #tpu.memory_space<vmem>> -> memref<512xf32, #tpu.memory_space<vmem>>
    %dma_wait3A_77 = arith.constant 0 : i32
    %dma_wait3A_78 = tpu.memref_slice %arg2[%arg1, %select_n3A, %dma_wait3A_77] : memref<16x4096x1024xf32, #tpu.memory_space<hbm>> -> memref<1x1x512xf32, #tpu.memory_space<hbm>>
    %dma_wait3A_79 = tpu.memref_squeeze %dma_wait3A_78 : memref<1x1x512xf32, #tpu.memory_space<hbm>> -> memref<512xf32, #tpu.memory_space<hbm>>
    %dma_wait3A_80 = arith.constant 0 : i32
    %dma_wait3A_81 = tpu.memref_slice %arg6[%dma_wait3A_80] : memref<1024xf32, #tpu.memory_space<vmem>> -> memref<512xf32, #tpu.memory_space<vmem>>
    %dma_wait3A_82 = arith.constant 0 : i32
    %dma_wait3A_83 = tpu.memref_slice %arg2[%arg1, %select_n3A, %dma_wait3A_82] : memref<16x4096x1024xf32, #tpu.memory_space<hbm>> -> memref<1x1x512xf32, #tpu.memory_space<hbm>>
    %dma_wait3A_84 = tpu.memref_squeeze %dma_wait3A_83 : memref<1x1x512xf32, #tpu.memory_space<hbm>> -> memref<512xf32, #tpu.memory_space<hbm>>
    tpu.wait_dma2 semaphore(%arg7 : memref<!tpu.dma_semaphore, #tpu.memory_space<semaphore_mem>>) src(%dma_wait3A_84 : memref<512xf32, #tpu.memory_space<hbm>>) dst(%dma_wait3A_81 : memref<512xf32, #tpu.memory_space<vmem>>)
    %dma_start3A_85 = arith.constant 0 : i32
    %dma_start3A_86 = tpu.memref_slice %arg6[%dma_start3A_85] : memref<1024xf32, #tpu.memory_space<vmem>> -> memref<512xf32, #tpu.memory_space<vmem>>
    %dma_start3A_87 = arith.constant 0 : i32
    %dma_start3A_88 = tpu.memref_slice %arg4[%arg1, %dma_start3A_87] : memref<16x1024xf32, #tpu.memory_space<hbm>> -> memref<1x512xf32, #tpu.memory_space<hbm>>
    %dma_start3A_89 = tpu.memref_squeeze %dma_start3A_88 : memref<1x512xf32, #tpu.memory_space<hbm>> -> memref<512xf32, #tpu.memory_space<hbm>>
    %dma_start3A_90 = arith.constant 0 : i32
    %dma_start3A_91 = tpu.memref_slice %arg4[%arg1, %dma_start3A_90] : memref<16x1024xf32, #tpu.memory_space<hbm>> -> memref<1x512xf32, #tpu.memory_space<hbm>>
    %dma_start3A_92 = tpu.memref_squeeze %dma_start3A_91 : memref<1x512xf32, #tpu.memory_space<hbm>> -> memref<512xf32, #tpu.memory_space<hbm>>
    %dma_start3A_93 = arith.constant 0 : i32
    %dma_start3A_94 = tpu.memref_slice %arg6[%dma_start3A_93] : memref<1024xf32, #tpu.memory_space<vmem>> -> memref<512xf32, #tpu.memory_space<vmem>>
    tpu.enqueue_dma source(%dma_start3A_94 : memref<512xf32, #tpu.memory_space<vmem>>) target(%dma_start3A_92 : memref<512xf32, #tpu.memory_space<hbm>>) target_semaphore(%arg9 : memref<!tpu.dma_semaphore, #tpu.memory_space<semaphore_mem>>)
    %dma_wait3A_95 = arith.constant 512 : i32
    %dma_wait3A_96 = tpu.memref_slice %arg6[%dma_wait3A_95] : memref<1024xf32, #tpu.memory_space<vmem>> -> memref<512xf32, #tpu.memory_space<vmem>>
    %dma_wait3A_97 = arith.constant 512 : i32
    %dma_wait3A_98 = tpu.memref_slice %arg2[%arg1, %select_n3A, %dma_wait3A_97] : memref<16x4096x1024xf32, #tpu.memory_space<hbm>> -> memref<1x1x512xf32, #tpu.memory_space<hbm>>
    %dma_wait3A_99 = tpu.memref_squeeze %dma_wait3A_98 : memref<1x1x512xf32, #tpu.memory_space<hbm>> -> memref<512xf32, #tpu.memory_space<hbm>>
    %dma_wait3A_100 = arith.constant 512 : i32
    %dma_wait3A_101 = tpu.memref_slice %arg6[%dma_wait3A_100] : memref<1024xf32, #tpu.memory_space<vmem>> -> memref<512xf32, #tpu.memory_space<vmem>>
    %dma_wait3A_102 = arith.constant 512 : i32
    %dma_wait3A_103 = tpu.memref_slice %arg2[%arg1, %select_n3A, %dma_wait3A_102] : memref<16x4096x1024xf32, #tpu.memory_space<hbm>> -> memref<1x1x512xf32, #tpu.memory_space<hbm>>
    %dma_wait3A_104 = tpu.memref_squeeze %dma_wait3A_103 : memref<1x1x512xf32, #tpu.memory_space<hbm>> -> memref<512xf32, #tpu.memory_space<hbm>>
    tpu.wait_dma2 semaphore(%arg8 : memref<!tpu.dma_semaphore, #tpu.memory_space<semaphore_mem>>) src(%dma_wait3A_104 : memref<512xf32, #tpu.memory_space<hbm>>) dst(%dma_wait3A_101 : memref<512xf32, #tpu.memory_space<vmem>>)
    %dma_start3A_105 = arith.constant 512 : i32
    %dma_start3A_106 = tpu.memref_slice %arg6[%dma_start3A_105] : memref<1024xf32, #tpu.memory_space<vmem>> -> memref<512xf32, #tpu.memory_space<vmem>>
    %dma_start3A_107 = arith.constant 512 : i32
    %dma_start3A_108 = tpu.memref_slice %arg4[%arg1, %dma_start3A_107] : memref<16x1024xf32, #tpu.memory_space<hbm>> -> memref<1x512xf32, #tpu.memory_space<hbm>>
    %dma_start3A_109 = tpu.memref_squeeze %dma_start3A_108 : memref<1x512xf32, #tpu.memory_space<hbm>> -> memref<512xf32, #tpu.memory_space<hbm>>
    %dma_start3A_110 = arith.constant 512 : i32
    %dma_start3A_111 = tpu.memref_slice %arg4[%arg1, %dma_start3A_110] : memref<16x1024xf32, #tpu.memory_space<hbm>> -> memref<1x512xf32, #tpu.memory_space<hbm>>
    %dma_start3A_112 = tpu.memref_squeeze %dma_start3A_111 : memref<1x512xf32, #tpu.memory_space<hbm>> -> memref<512xf32, #tpu.memory_space<hbm>>
    %dma_start3A_113 = arith.constant 512 : i32
    %dma_start3A_114 = tpu.memref_slice %arg6[%dma_start3A_113] : memref<1024xf32, #tpu.memory_space<vmem>> -> memref<512xf32, #tpu.memory_space<vmem>>
    tpu.enqueue_dma source(%dma_start3A_114 : memref<512xf32, #tpu.memory_space<vmem>>) target(%dma_start3A_112 : memref<512xf32, #tpu.memory_space<hbm>>) target_semaphore(%arg10 : memref<!tpu.dma_semaphore, #tpu.memory_space<semaphore_mem>>)
    %dma_wait3A_115 = arith.constant 0 : i32
    %dma_wait3A_116 = tpu.memref_slice %arg6[%dma_wait3A_115] : memref<1024xf32, #tpu.memory_space<vmem>> -> memref<512xf32, #tpu.memory_space<vmem>>
    %dma_wait3A_117 = arith.constant 0 : i32
    %dma_wait3A_118 = tpu.memref_slice %arg4[%arg1, %dma_wait3A_117] : memref<16x1024xf32, #tpu.memory_space<hbm>> -> memref<1x512xf32, #tpu.memory_space<hbm>>
    %dma_wait3A_119 = tpu.memref_squeeze %dma_wait3A_118 : memref<1x512xf32, #tpu.memory_space<hbm>> -> memref<512xf32, #tpu.memory_space<hbm>>
    %dma_wait3A_120 = arith.constant 0 : i32
    %dma_wait3A_121 = tpu.memref_slice %arg4[%arg1, %dma_wait3A_120] : memref<16x1024xf32, #tpu.memory_space<hbm>> -> memref<1x512xf32, #tpu.memory_space<hbm>>
    %dma_wait3A_122 = tpu.memref_squeeze %dma_wait3A_121 : memref<1x512xf32, #tpu.memory_space<hbm>> -> memref<512xf32, #tpu.memory_space<hbm>>
    %dma_wait3A_123 = arith.constant 0 : i32
    %dma_wait3A_124 = tpu.memref_slice %arg6[%dma_wait3A_123] : memref<1024xf32, #tpu.memory_space<vmem>> -> memref<512xf32, #tpu.memory_space<vmem>>
    tpu.wait_dma2 semaphore(%arg9 : memref<!tpu.dma_semaphore, #tpu.memory_space<semaphore_mem>>) src(%dma_wait3A_124 : memref<512xf32, #tpu.memory_space<vmem>>) dst(%dma_wait3A_122 : memref<512xf32, #tpu.memory_space<hbm>>)
    %dma_wait3A_125 = arith.constant 512 : i32
    %dma_wait3A_126 = tpu.memref_slice %arg6[%dma_wait3A_125] : memref<1024xf32, #tpu.memory_space<vmem>> -> memref<512xf32, #tpu.memory_space<vmem>>
    %dma_wait3A_127 = arith.constant 512 : i32
    %dma_wait3A_128 = tpu.memref_slice %arg4[%arg1, %dma_wait3A_127] : memref<16x1024xf32, #tpu.memory_space<hbm>> -> memref<1x512xf32, #tpu.memory_space<hbm>>
    %dma_wait3A_129 = tpu.memref_squeeze %dma_wait3A_128 : memref<1x512xf32, #tpu.memory_space<hbm>> -> memref<512xf32, #tpu.memory_space<hbm>>
    %dma_wait3A_130 = arith.constant 512 : i32
    %dma_wait3A_131 = tpu.memref_slice %arg4[%arg1, %dma_wait3A_130] : memref<16x1024xf32, #tpu.memory_space<hbm>> -> memref<1x512xf32, #tpu.memory_space<hbm>>
    %dma_wait3A_132 = tpu.memref_squeeze %dma_wait3A_131 : memref<1x512xf32, #tpu.memory_space<hbm>> -> memref<512xf32, #tpu.memory_space<hbm>>
    %dma_wait3A_133 = arith.constant 512 : i32
    %dma_wait3A_134 = tpu.memref_slice %arg6[%dma_wait3A_133] : memref<1024xf32, #tpu.memory_space<vmem>> -> memref<512xf32, #tpu.memory_space<vmem>>
    tpu.wait_dma2 semaphore(%arg10 : memref<!tpu.dma_semaphore, #tpu.memory_space<semaphore_mem>>) src(%dma_wait3A_134 : memref<512xf32, #tpu.memory_space<vmem>>) dst(%dma_wait3A_132 : memref<512xf32, #tpu.memory_space<hbm>>)
    return
  }
}

</mosaic_0001>

<sc_bundles>
// kernel: kernel.3.cloned.1.call-start
scs
__scs_entry_jumppad:
0x0: {  	(pc) =	sbr.rel $0x88, $3  }
0x1: {  	(tag) =	ssettag $0x0;
	lr =	simm.s32 $0x1  }
0x2: {  	[smem:$0x3F9F] =	sst lr;
	_ =	strace $0xD0000000  }
0x3: {  	_ = 	snop  }
0x4: {  	_ = 	snop  }
0x5: {  	_ = 	snop  }
0x6: {  	_ = 	snop  }
0x7: {  	_ = 	snop  }
__scs_overlays_trampoline_lowered:
0x8: {  	[smem:$0x3FAE] =	sst s0  }
0x9: {  	[smem:$0x3FAF] =	sst s1  }
0xa: {  	[smem:$0x3FB0] =	sst s2  }
0xb: {  	[smem:$0x3FB1] =	sst s3  }
0xc: {  	[smem:$0x3FB2] =	sst s4  }
0xd: {  	[smem:$0x3FB3] =	sst s5  }
0xe: {  	[smem:$0x3FB4] =	sst s6  }
0xf: {  	[smem:$0x3FB5] =	sst s7  }
0x10: {  	[smem:$0x3FB6] =	sst s8  }
0x11: {  	[smem:$0x3FB7] =	sst s9;
	s0 =	simm.s32 @!p0 $0x0  }
0x12: {  	s1 =	sld [smem:$0x3F9D];
	s0 =	simm.s32 @p0 $0x1  }
0x13: {  	[smem:$0x3FB8] =	sst s0;
	s0 =	simm.s32 @!p1 $0x0  }
0x14: {  	s2 =	sld [smem:$0x3F9C];
	s0 =	simm.s32 @p1 $0x1  }
0x15: {  	[smem:$0x3FB9] =	sst s0;
	s0 =	simm.s32 @!p2 $0x0  }
0x16: {  	s3 =	sld [smem:$0x3FDB];
	s0 =	simm.s32 @p2 $0x1  }
0x17: {  	s4 =	simm.s32 $0x1BF5;
	[smem:$0x3FBB] =	sst s0  }
0x18: {  	s0 =	sld [smem:$0x3F9E];
	_ =	swait.ge [sflag:s4], $0x0  }
0x19: {  	s7 =	sld [smem:$0x3F9F]  }
0x1a: {  	s8 =	sadd.s32 $0xFFFFE003, lr  }
0x1b: {  	s9 =	sadd.s32 $0xFFFFFEF7, lr;
	s5 =	simm.s32 $0xFFFFFFFF;
	p2 =	slt.u32 s8, $0xFFFFF086  }
0x1c: {  	p1 =	slt.u32 s9, $0xF7A;
	s5 =	simm.s32 @!p2 $0x0  }
0x1d: {  	s5 =	simm.s32 @p1 $0x1;
	p0 =	seq.s32 s7, s2  }
0x1e: {  	s7 =	smul.u32 @!p0 $0xF7A, s2;
	p2 =	seq.s32 @!p0 s5, $0x0  }
0x1f: {  	s9 =	smul.u32 $0xF7A, s1;
	s8 =	simm.s32 @!p0 $0x1BF5;
	p2 =	por !p2, p0  }
0x20: {  	[sflag:s8] =	ssyncset.s32 @!p0 $0xFFFFF086;
	s6 =	sadd.s32 @!p0 s3, s7;
	s7 =	simm.s32 @!p0 $0x108  }
0x21: {  	s3 =	sadd.s32 s3, s9;
	s6 =	sadd.s32 @!p0 $0x88, s6;
	s7 =	simm.s32 @p2 $0x1082  }
0x22: {  	[simem:s7], [sflag:s8] =	dma.local @!p0 [hbm:s6], $0xF7A  }
0x23: {  	s9 =	sor.u32 $0xD0000000, s2;
	s6 =	simm.s32 $0x108;
	_ =	swait.ge @!p0 [sflag:s8], $0x0  }
0x24: {  	s3 =	sadd.s32 $0x88, s3;
	s6 =	simm.s32 @!p1 $0x1082;
	[sflag:s4] =	ssyncset.s32 $0xFFFFF086  }
0x25: {  	[simem:s6], [sflag:s4] =	dma.local [hbm:s3], $0xF7A  }
0x26: {  	[smem:$0x3F9F] =	sst s1;
	(tag) =	ssettag s2;
	_ =	strace s9  }
0x27: {  	s1 =	sld [smem:$0x3FAF]  }
0x28: {  	s2 =	sld [smem:$0x3FB0]  }
0x29: {  	s4 =	sld [smem:$0x3FB2]  }
0x2a: {  	p0 =	seq.s32 s5, $0x0;
	s5 =	sld [smem:$0x3FB3]  }
0x2b: {  	s6 =	sld [smem:$0x3FB4]  }
0x2c: {  	s7 =	sld [smem:$0x3FB5]  }
0x2d: {  	s3 =	simm.s32 $0x108;
	s8 =	sld [smem:$0x3FB6]  }
0x2e: {  	s3 =	simm.s32 @!p0 $0x1082;
	s9 =	sld [smem:$0x3FB7]  }
0x2f: {  	lr =	sadd.s32 s0, s3;
	s0 =	sld [smem:$0x3FAE]  }
0x30: {  	s3 =	sld [smem:$0x3FB1]  }
0x31: {  	[smem:$0x3FBA] =	sst s10  }
0x32: {  	s10 =	sld [smem:$0x3FB8];
	_ =	sdelay $0x3  }
0x33: {  	p0 =	seq.s32 s10, $0x1;
	s10 =	sld [smem:$0x3FBA];
	_ =	sdelay $0x3  }
0x34: {  	[smem:$0x3FBA] =	sst s10  }
0x35: {  	s10 =	sld [smem:$0x3FB9];
	_ =	sdelay $0x3  }
0x36: {  	p1 =	seq.s32 s10, $0x1;
	s10 =	sld [smem:$0x3FBA];
	_ =	sdelay $0x3  }
0x37: {  	[smem:$0x3FBA] =	sst s10  }
0x38: {  	s10 =	sld [smem:$0x3FBB]  }
0x39: {  	_ = 	snop;
	(pc) =	sbr.ind lr, $3  }
0x3a: {  	_ = 	snop  }
0x3b: {  	_ = 	snop  }
0x3c: {  	p2 =	seq.s32 s10, $0x1;
	s10 =	sld [smem:$0x3FBA]  }
0x3d: {  	_ =	shalt  }
0x3e: {  	_ =	shalt  }
0x3f: {  	_ =	shalt  }
0x40: {  	_ =	shalt  }
0x41: {  	_ =	shalt  }
0x42: {  	_ =	shalt  }
0x43: {  	_ =	shalt  }
0x44: {  	_ =	shalt  }
0x45: {  	_ =	shalt  }
0x46: {  	_ =	shalt  }
0x47: {  	_ =	shalt  }
0x48: {  	_ =	shalt  }
0x49: {  	_ =	shalt  }
0x4a: {  	_ =	shalt  }
0x4b: {  	_ =	shalt  }
0x4c: {  	_ =	shalt  }
0x4d: {  	_ =	shalt  }
0x4e: {  	_ =	shalt  }
0x4f: {  	_ =	shalt  }
0x50: {  	_ =	shalt  }
0x51: {  	_ =	shalt  }
0x52: {  	_ =	shalt  }
0x53: {  	_ =	shalt  }
0x54: {  	_ =	shalt  }
0x55: {  	_ =	shalt  }
0x56: {  	_ =	shalt  }
0x57: {  	_ =	shalt  }
0x58: {  	_ =	shalt  }
0x59: {  	_ =	shalt  }
0x5a: {  	_ =	shalt  }
0x5b: {  	_ =	shalt  }
0x5c: {  	_ =	shalt  }
0x5d: {  	_ =	shalt  }
0x5e: {  	_ =	shalt  }
0x5f: {  	_ =	shalt  }
0x60: {  	_ =	shalt  }
0x61: {  	_ =	shalt  }
0x62: {  	_ =	shalt  }
0x63: {  	_ =	shalt  }
0x64: {  	_ =	shalt  }
0x65: {  	_ =	shalt  }
0x66: {  	_ =	shalt  }
0x67: {  	_ =	shalt  }
0x68: {  	_ =	shalt  }
0x69: {  	_ =	shalt  }
0x6a: {  	_ =	shalt  }
0x6b: {  	_ =	shalt  }
0x6c: {  	_ =	shalt  }
0x6d: {  	_ =	shalt  }
0x6e: {  	_ =	shalt  }
0x6f: {  	_ =	shalt  }
0x70: {  	_ =	shalt  }
0x71: {  	_ =	shalt  }
0x72: {  	_ =	shalt  }
0x73: {  	_ =	shalt  }
0x74: {  	_ =	shalt  }
0x75: {  	_ =	shalt  }
0x76: {  	_ =	shalt  }
0x77: {  	_ =	shalt  }
0x78: {  	_ =	shalt  }
0x79: {  	_ =	shalt  }
0x7a: {  	_ =	shalt  }
0x7b: {  	_ =	shalt  }
0x7c: {  	_ =	shalt  }
0x7d: {  	_ =	shalt  }
0x7e: {  	_ =	shalt  }
0x7f: {  	_ =	shalt  }
0x80: {  	_ =	shalt  }
0x81: {  	_ =	shalt  }
0x82: {  	_ =	shalt  }
0x83: {  	_ =	shalt  }
0x84: {  	_ =	shalt  }
0x85: {  	_ =	shalt  }
0x86: {  	_ =	shalt  }
0x87: {  	_ =	shalt  }
.Lfunc_end0:
.L_simem_size_0:
called_computation_lowered:
.L_overlay_start_0:
0x88: {  	s0 =	sld [smem:$0x3FD9]  }
0x89: {  	s1 =	sld [smem:$0x3FFE];
	_ =	sdelay $0x3  }
0x8a: {  	s0 =	sadd.s32 s1, s0  }
0x8b: {  	[smem:$0x3FC6] =	sst s0  }
0x8c: {  	_ = 	snop  }
0x8d: {  	s0 =	sld [smem:$0x3FC9]  }
0x8e: {  	s16 =	sld [smem:$0x3FD0];
	(tm) =	ssettm $0x1  }
0x8f: {  	s2 =	sld [smem:$0x3FFB];
	_ =	sdelay $0x3  }
0x90: {  	_ =	strace s2  }
0x91: {  	s2 =	sld [smem:$0x3FFC];
	_ =	sdelay $0x3  }
0x92: {  	_ =	strace s2  }
0x93: {  	s2 =	sld [smem:$0x3FFD];
	_ =	sdelay $0x3  }
0x94: {  	_ =	strace s2  }
0x95: {  	_ =	strace $0x8FFFFFFF  }
0x96: {  	s17 =	sld [smem:$0x3FDB];
	_ =	sdelay $0x1  }
0x97: {  	s3 =	simm.s32 $_scs_section_size  }
0x98: {  	s4 =	simm.s32 $_size__tile_overlayer_lowered;
	s5 =	simm.s32 $_tile_overlayer_lowered  }
0x99: {  	s20 =	simm.s32 $0x1BFF;
	s19 =	sshll.u32 s5, $0x1;
	s2 =	sadd.s32 s3, s17  }
0x9a: {  	s6 =	simm.s32 $0x0;
	s18 =	sshll.u32 s4, $0x1;
	s4 =	sadd.s32 s19, s2  }
0x9b: {  	[timem:s6], [sflag:s20] =	dma.local [hbm:s4], s18  }
0x9c: {  	_ =	swait.ge [sflag:s20], s18  }
0x9d: {  	s3 =	ssub.s32 $0x0, s18;
	[sflag:s20] =	ssyncset.done $0x0  }
0x9e: {  	[sflag:s20] =	ssyncadd.s32 s3;
	_ =	sdelay $0x1  }
0x9f: {  	s21 =	simm.s32 $0x1B8B  }
0xa0: {  	_ =	swait.ge [sflag:s21], $0x1  }
0xa1: {  	[sflag:s21] =	ssyncset.done $0x0  }
0xa2: {  	s23 =	simm.s32 $0x1B8E;
	s22 =	sld [smem:$0x3FFE];
	[sflag:s21] =	ssyncadd.s32 $0xFFFFFFFF  }
0xa3: {  	s24 =	simm.s32 $execute0_lowered;
	[smem:$0x3FD2] =	sst s23  }
0xa4: {  	s4 =	sshll.u32 s24, $0x1;
	_ =	strace $0x80000046;
	[dreg:$0x1] =	wrdreg $0xFFFFFFFF  }
0xa5: {  	s25 =	simm.s32 $_size_execute0_lowered;
	s2 =	sadd.s32 s2, s4;
	[dreg:$0x0] =	wrdreg $0x0  }
0xa6: {  	s4 =	sshll.u32 s25, $0x1;
	[dreg:$0x2] =	wrdreg s2  }
0xa7: {  	[dreg:$0x3] =	wrdreg s4  }
0xa8: {  	[dreg:$0x4] =	wrdreg $0xC0  }
0xa9: {  	_ =	task [dreg:s6], $0x5FFFF  }
0xaa: {  	[dreg:$0x1] =	wrdreg $0xFFFFFFFF  }
0xab: {  	[dreg:$0x0] =	wrdreg $0x60  }
0xac: {  	[dreg:$0x2] =	wrdreg s0  }
0xad: {  	[dreg:$0x3] =	wrdreg s22  }
0xae: {  	[dreg:$0x4] =	wrdreg s16  }
0xaf: {  	[dreg:$0x5] =	wrdreg $0x9  }
0xb0: {  	_ =	task.clear_ibuf [dreg:s6], $0x6FFFF;
	_ =	strace $0x90000046  }
0xb1: {  	s26 =	simm.s32 $0x9;
	_ =	strace $0x80000048  }
0xb2: {  	_ =	swait.ge [sflag:s26], $0x1  }
0xb3: {  	[sflag:s26] =	ssyncadd.s32 $0xFFFFFFFF  }
0xb4: {  	_ =	strace $0x90000048  }
0xb5: {  	_ =	sfence  }
0xb6: {  	s28 =	sld [smem:$0x0];
	_ =	sdelay $0x1  }
0xb7: {  	s29 =	srdreg.scid  }
0xb8: {  	s30 =	sshll.u32 s29, $0xD;
	s31 =	sshrl.u32 s29, $0x2  }
0xb9: {  	s1 =	sand.u32 $0x1, s29;
	s2 =	sand.u32 $0x4000, s30;
	s0 =	sadd.s32 s31, s28  }
0xba: {  	s1 =	sor.u32 s2, s1;
	s0 =	sshll.u32 s0, $0x11  }
0xbb: {  	s0 =	sor.u32 s0, s1  }
0xbc: {  	s0 =	sadd.s32 $0x8F2B, s0  }
0xbd: {  	[sflag:s0] =	ssyncadd.remote.s32 $0x1  }
0xbe: {  	_ =	sfence.sel $0xFFFF  }
0xbf: {  	[dreg:$0x0] =	wrdreg $0xFFFFFFFF;
	(pc) =	sbr.abs _section_cstart, $3  }
0xc0: {  	[dreg:$0x1] =	wrdreg $0xFFFFFFFF  }
0xc1: {  	_ =	task.clear_ibuf [dreg:s6], $0x2FFFF;
	_ =	strace $0x9FFFFFFF  }
0xc2: {  	(tm) =	ssettm $0x7FFFFFFF  }
0xc3: {  	_ =	shalt  }
tec
execute0_lowered:
.L_overlay_start_1:
0x0: {  	(tag) =	ssettag $0x1  }
0x1: {  	s0 =	stileid.u32  }
0x2: {  	s5 =	rddreg [dreg:$0x0];
	s3 =	sshrl.u32 s0, $0x3;
	s1 =	sshll.u32 s0, $0x7  }
0x3: {  	s6 =	rddreg [dreg:$0x1];
	s4 =	sand.u32 $0x380, s1;
	s7 =	sshll.u32 s3, $0xF  }
0x4: {  	s2 =	rddreg [dreg:$0x2];
	s7 =	sor.u32 s4, s7  }
0x5: {  	s8 =	simm.s32 $0x0;
	s9 =	simm.s32 $0x80;
	s7 =	sshrl.u32 s7, $0x3  }
0x6: {  	s10 =	simm.s32 $0x400;
	[smem:$0x7FF] =	sst s8;
	s6 =	sadd.s32 s7, s6  }
0x7: {  	s1 =	rddreg [dreg:$0x3];
	_ =	strace $0x80000047;
	s7 =	sadd.s32 $0x400, s6  }
0x8: {  	[tilespmem:s8], [sflag:$0x1] =	stream.strided.gather [hbm4b:s7+s9], $0x800, s10, s9, $0x38;
	[tilespmem:$0x1400] =	vst v63  }
0x9: {  	s29 =	simm.s32 $0x800;
	s30 =	simm.s32 $0x1;
	s6 =	sadd.s32 $0xC00, s6  }
0xa: {  	[tilespmem:s29], [sflag:$0x2] =	stream.strided.gather [hbm4b:s6+s9], $0x800, s10, s9, $0x38;
	[tilespmem:$0x1400] =	vst v63  }
0xb: {  	_ =	swait.ge [sflag:s30], $0x800  }
0xc: {  	[sflag:s30] =	ssyncset.done $0x0  }
0xd: {  	s31 =	simm.s32 $0x0;
	[sflag:s30] =	ssyncadd.s32 $0xFFFFF800  }
0xe: {  	v2 =	vld [tilespmem:s31+$0x0]  }
0xf: {  	v3 =	vld [tilespmem:s31+$0x10]  }
0x10: {  	v4 =	vld [tilespmem:s31+$0x20]  }
0x11: {  	v0 =	vld [tilespmem:s31+$0x30]  }
0x12: {  	v5 =	vimm.s32 $0x0;
	v1 =	vld [tilespmem:s31+$0x40]  }
0x13: {  	v5 =	vadd.s32 v5, v2;
	v2 =	vld [tilespmem:s31+$0x50]  }
0x14: {  	v5 =	vadd.s32 v3, v5;
	v3 =	vld [tilespmem:s31+$0x60]  }
0x15: {  	s7 =	simm.s32 $0x400;
	s6 =	simm.s32 $0x80;
	v5 =	vadd.s32 v4, v5;
	v4 =	vld [tilespmem:s31+$0x70]  }
.LBB2_1:
0x16: {  	p0 =	sne.s32 s7, $0x1E00;
	v6 =	vld [tilespmem:s6+$0x0];
	v0 =	vadd.s32 v0, v5  }
0x17: {  	v5 =	vld [tilespmem:s6+$0x10];
	v0 =	vadd.s32 v1, v0  }
0x18: {  	v7 =	vld [tilespmem:s6+$0x20];
	v1 =	vadd.s32 v2, v0  }
.Ltmp0:
0x19: {  	v0 =	vld [tilespmem:s6+$0x30];
	v2 =	vadd.s32 v3, v1;
	(pc) =	sbr.rel @p0 .LBB2_1-.Ltmp0, $4  }
0x1a: {  	v1 =	vld [tilespmem:s6+$0x40];
	v2 =	vadd.s32 v4, v2  }
0x1b: {  	v3 =	vadd.s32 v2, v6;
	v2 =	vld [tilespmem:s6+$0x50]  }
0x1c: {  	v4 =	vadd.s32 v5, v3;
	v3 =	vld [tilespmem:s6+$0x60]  }
0x1d: {  	v5 =	vadd.s32 v7, v4;
	v4 =	vld [tilespmem:s6+$0x70];
	s6 =	sshra.s32 s7, $0x2;
	s7 =	sadd.s32 $0x200, s7  }
0x1e: {  	v6 =	vld [tilespmem:s6+$0x0]  }
0x1f: {  	v7 =	vld [tilespmem:s6+$0x10]  }
0x20: {  	v8 =	vld [tilespmem:s6+$0x20];
	v0 =	vadd.s32 v0, v5  }
0x21: {  	v5 =	vld [tilespmem:s6+$0x30];
	v0 =	vadd.s32 v1, v0  }
0x22: {  	v1 =	vld [tilespmem:s6+$0x40];
	v0 =	vadd.s32 v2, v0  }
0x23: {  	v2 =	vld [tilespmem:s6+$0x50];
	v0 =	vadd.s32 v3, v0  }
0x24: {  	s31 =	simm.s32 $0x2;
	v3 =	vld [tilespmem:s6+$0x60];
	v0 =	vadd.s32 v4, v0  }
0x25: {  	v4 =	vld [tilespmem:s6+$0x70];
	_ =	swait.ge [sflag:s31], $0x800;
	v0 =	vadd.s32 v0, v6  }
0x26: {  	[sflag:s31] =	ssyncset.done $0x0;
	v0 =	vadd.s32 v7, v0  }
0x27: {  	s8 =	simm.s32 $0x0;
	[sflag:s31] =	ssyncadd.s32 $0xFFFFF800;
	v0 =	vadd.s32 v8, v0  }
0x28: {  	v0 =	vadd.s32 v5, v0;
	v5 =	vld [tilespmem:s8+$0x800]  }
0x29: {  	v6 =	vld [tilespmem:s8+$0x810];
	v0 =	vadd.s32 v1, v0  }
0x2a: {  	v7 =	vld [tilespmem:s8+$0x820];
	v0 =	vadd.s32 v2, v0  }
0x2b: {  	v1 =	vadd.s32 v3, v0;
	v0 =	vld [tilespmem:s8+$0x830]  }
0x2c: {  	v2 =	vadd.s32 v4, v1;
	v1 =	vld [tilespmem:s8+$0x840]  }
0x2d: {  	v3 =	vadd.s32 v2, v5;
	v2 =	vld [tilespmem:s8+$0x850]  }
0x2e: {  	v4 =	vadd.s32 v6, v3;
	v3 =	vld [tilespmem:s8+$0x860]  }
0x2f: {  	s7 =	simm.s32 $0x400;
	s6 =	simm.s32 $0x80;
	v5 =	vadd.s32 v7, v4;
	v4 =	vld [tilespmem:s8+$0x870]  }
.LBB2_3:
0x30: {  	p0 =	sne.s32 s7, $0x1E00;
	v6 =	vld [tilespmem:s6+$0x800];
	v0 =	vadd.s32 v0, v5  }
0x31: {  	v5 =	vld [tilespmem:s6+$0x810];
	v0 =	vadd.s32 v1, v0  }
0x32: {  	v7 =	vld [tilespmem:s6+$0x820];
	v1 =	vadd.s32 v2, v0  }
.Ltmp1:
0x33: {  	v0 =	vld [tilespmem:s6+$0x830];
	v2 =	vadd.s32 v3, v1;
	(pc) =	sbr.rel @p0 .LBB2_3-.Ltmp1, $4  }
0x34: {  	v1 =	vld [tilespmem:s6+$0x840];
	v2 =	vadd.s32 v4, v2  }
0x35: {  	v3 =	vadd.s32 v2, v6;
	v2 =	vld [tilespmem:s6+$0x850]  }
0x36: {  	v4 =	vadd.s32 v5, v3;
	v3 =	vld [tilespmem:s6+$0x860]  }
0x37: {  	v5 =	vadd.s32 v7, v4;
	v4 =	vld [tilespmem:s6+$0x870];
	s6 =	sshra.s32 s7, $0x2;
	s7 =	sadd.s32 $0x200, s7  }
0x38: {  	v6 =	vld [tilespmem:s6+$0x800];
	v0 =	vadd.s32 v0, v5  }
0x39: {  	v57 =	vld [tilespmem:s6+$0x810];
	v0 =	vadd.s32 v1, v0  }
0x3a: {  	v58 =	vld [tilespmem:s6+$0x820];
	v0 =	vadd.s32 v2, v0  }
0x3b: {  	v59 =	vld [tilespmem:s6+$0x830];
	v0 =	vadd.s32 v3, v0  }
0x3c: {  	v60 =	vld [tilespmem:s6+$0x840];
	v0 =	vadd.s32 v4, v0  }
0x3d: {  	v61 =	vld [tilespmem:s6+$0x850];
	v0 =	vadd.s32 v0, v6  }
0x3e: {  	v62 =	vld [tilespmem:s6+$0x860];
	v0 =	vadd.s32 v57, v0  }
0x3f: {  	v63 =	vld [tilespmem:s6+$0x870];
	v0 =	vadd.s32 v58, v0  }
0x40: {  	v0 =	vadd.s32 v59, v0  }
0x41: {  	v0 =	vadd.s32 v60, v0  }
0x42: {  	v0 =	vadd.s32 v61, v0  }
0x43: {  	v0 =	vadd.s32 v62, v0  }
0x44: {  	v0 =	vadd.s32 v63, v0  }
0x45: {  	(xrf0) =	vadd.scan.msk.s32 $0xffff, v0;
	_ =	sdelay $0x5  }
0x46: {  	v0, _, _ =	vpop (xrf0)  }
0x47: {  	(v2sf) =	vpush v0, $0xF;
	_ =	sdelay $0xe  }
0x48: {  	s23 =	spop (v2sf)  }
0x49: {  	p0 =	sgt.s32 s23, $0x0;
	s6 =	sadd.s32 $0xFFFFFFFF, s23  }
0x4a: {  	s6 =	simm.s32 @!p0 $0xFFF  }
0x4b: {  	s7 =	sshll.u32 s6, $0xA  }
0x4c: {  	s8 =	sshll.u32 s0, $0x16;
	s6 =	sshll.u32 s6, $0x7;
	s7 =	sand.u32 $0xFFFFE000, s7  }
0x4d: {  	s6 =	sand.u32 $0x380, s6;
	s7 =	sadd.s32 s8, s7  }
0x4e: {  	s6 =	sor.u32 s6, s7  }
0x4f: {  	s24 =	simm.s32 $0x80;
	s25 =	simm.s32 $0x400;
	s6 =	sshrl.u32 s6, $0x3  }
0x50: {  	s26 =	simm.s32 $0x1000;
	s9 =	simm.s32 $0x1200;
	s5 =	sadd.s32 s5, s6  }
0x51: {  	[tilespmem:s26], [sflag:$0x1] =	stream.strided.gather [hbm4b:s5+s24], $0x200, s25, s24, $0x38;
	[tilespmem:$0x1400] =	vst v63  }
0x52: {  	s3 =	sshll.u32 s3, $0xD;
	s28 =	simm.s32 $0x1;
	s5 =	sadd.s32 $0x200, s5  }
0x53: {  	[tilespmem:s9], [sflag:$0x2] =	stream.strided.gather [hbm4b:s5+s24], $0x200, s25, s24, $0x38;
	[tilespmem:$0x1400] =	vst v63  }
0x54: {  	s3 =	sor.u32 s4, s3;
	_ =	swait.ge [sflag:s28], $0x200  }
0x55: {  	s3 =	sshrl.u32 s3, $0x3;
	[sflag:s28] =	ssyncset.done $0x0  }
0x56: {  	s29 =	simm.s32 $0x2;
	s2 =	sadd.s32 s2, s3;
	[sflag:s28] =	ssyncadd.s32 $0xFFFFFE00  }
0x57: {  	[hbm4b:s2+s24] =	stream.strided.scatter [tilespmem:s26], [sflag:$0x3], $0x200, s25, s24, $0x38;
	[tilespmem:$0x1400] =	vst v63  }
0x58: {  	_ =	swait.ge [sflag:s29], $0x200  }
0x59: {  	[sflag:s29] =	ssyncset.done $0x0  }
0x5a: {  	s30 =	simm.s32 $0x3;
	s2 =	sadd.s32 $0x200, s2;
	[sflag:s29] =	ssyncadd.s32 $0xFFFFFE00  }
0x5b: {  	[hbm4b:s2+s24] =	stream.strided.scatter [tilespmem:s9], [sflag:$0x4], $0x200, s25, s24, $0x38;
	[tilespmem:$0x1400] =	vst v63  }
0x5c: {  	_ =	swait.ge [sflag:s30], $0x200  }
0x5d: {  	[sflag:s30] =	ssyncset.done $0x0  }
0x5e: {  	s31 =	simm.s32 $0x4;
	[sflag:s30] =	ssyncadd.s32 $0xFFFFFE00  }
0x5f: {  	_ =	swait.ge [sflag:s31], $0x200  }
0x60: {  	[sflag:s31] =	ssyncset.done $0x0  }
0x61: {  	[sflag:s31] =	ssyncadd.s32 $0xFFFFFE00  }
0x62: {  	_ =	sfence.sel $0x180000  }
0x63: {  	[bflag:$0x0] =	sbarrier.arrive $0xFFFF  }
0x64: {  	p0 =	sne.s32 s0, $0x0;
	_ =	strace $0x90000047  }
0x65: {  	s0 =	sadd.s32 @!p0 $0x100000, s1;
	[bflag:$0x2] =	sbarrier.arrive $0xFFFF  }
0x66: {  	[sflag:s0] =	ssyncadd.tile.s32 @!p0 $0x1;
	_ =	shalt  }
.Lfunc_end2:
_tile_overlayer_lowered:
.L_overlay_start_2:
0x67: {  	(tag) =	ssettag $0x2  }
0x68: {  	s0 =	rddreg [dreg:$0x0];
	s2 =	stileid.u32  }
0x69: {  	s1 =	rddreg [dreg:$0x1];
	p0 =	sne.s32 s2, $0x0  }
0x6a: {  	s3 =	rddreg [dreg:$0x2];
	[bflag:$0x3] =	sbarrier.arrive $0xFFFF;
	s2 =	simm.s32 @!p0 $0x1C05  }
0x6b: {  	[timem:s3], [sflag:s2] =	dma.local @!p0 [hbm:s0], s1  }
0x6c: {  	s0 =	simm.s32 @!p0 $0x5  }
0x6d: {  	_ =	swait.ge @!p0 [sflag:s0], s1  }
0x6e: {  	s1 =	ssub.s32 @!p0 $0x0, s1;
	[sflag:s0] =	ssyncset.done @!p0 $0x0  }
0x6f: {  	[sflag:s0] =	ssyncadd.s32 @!p0 s1  }
0x70: {  	[bflag:$0x3] =	sbarrier.arrive $0xFFFF  }
0x71: {  	_ =	shalt  }

</sc_bundles>
